<compile_context>
chip_gen: v7x
topology: tpu7x:2x2x1
jax: 0.10.2.dev20260603
libtpu: 0.0.44.dev20260713+nightly
codegen_flags: <defaults>
</compile_context>

<pallas_src>
import jax
import jax.numpy as jnp
from jax import lax
from jax.experimental import pallas as pl
from jax.experimental.pallas import tpu as pltpu
from jax.experimental.pallas import tpu_sc as plsc

_B = 4096
_E = 100000
_D0, _D1, _D2 = 128, 64, 32
_NC, _NS, _L = 2, 16, 16
_NW = _NC * _NS
_BPW = _B // _NW


_SPLIT = 50176


def _sc_body(idx_hbm, t0_hbm, t1t_hbm, t2t_hbm, part0_hbm, outt_hbm,
             idx_v, idx_all, bufa, bufb, fval, fval2, b0, sem0, sema, semb, semw):
    wid = lax.axis_index("s") * _NC + lax.axis_index("c")
    base = wid * _BPW
    pltpu.sync_copy(idx_hbm.at[pl.ds(base, _BPW)], idx_v)
    c0 = pltpu.async_copy(t0_hbm.at[idx_v], b0, sem0)
    pltpu.sync_copy(idx_hbm, idx_all)

    def fire(tab, f, half):
        if half == 0:
            return pltpu.async_copy(tab.at[f, pl.ds(0, _SPLIT)], bufa, sema)
        return pltpu.async_copy(tab.at[f, pl.ds(_SPLIT, _E - _SPLIT)], bufb, semb)

    def gather_half(half, accumulate, fv):
        buf = bufa if half == 0 else bufb

        def chunk(k, carry):
            iv = idx_all[pl.ds(_L * k, _L)]
            if half == 0:
                m = iv < _SPLIT
            else:
                m = iv >= _SPLIT
                iv = iv - _SPLIT
            g = jnp.where(m, plsc.load_gather(buf, [iv], mask=m), 0.0)
            if accumulate:
                g = g + fv[pl.ds(_L * k, _L)]
            fv[pl.ds(_L * k, _L)] = g
            return carry

        lax.fori_loop(0, _B // _L, chunk, 0)

    rows = [
        (t1t_hbm, wid, False, fval, None),
        (t2t_hbm, wid, True, fval, wid),
        (t1t_hbm, _D2 + wid, False, fval2, _D2 + wid),
    ]
    ca = fire(*rows[0][:2], 0)
    cb = fire(*rows[0][:2], 1)
    cw = None
    for i, (tab, f, acc, fv, wout) in enumerate(rows):
        ca.wait()
        gather_half(0, acc, fv)
        if i + 1 < len(rows):
            ca = fire(*rows[i + 1][:2], 0)
        cb.wait()
        gather_half(1, True, fv)
        if i + 1 < len(rows):
            cb = fire(*rows[i + 1][:2], 1)
        if wout is not None:
            cw = pltpu.async_copy(fv, outt_hbm.at[wout], semw)
        if i == 0:
            c0.wait()
            pltpu.async_copy(b0, part0_hbm.at[pl.ds(base, _BPW)], sem0)

    pltpu.make_async_copy(b0, part0_hbm.at[pl.ds(base, _BPW)], sem0).wait()
    cw.wait()
    pltpu.make_async_copy(fval, outt_hbm.at[wid], semw).wait()


def kernel(indexes, table0, table1, table2):
    t1t = jnp.transpose(table1)
    t2t = jnp.transpose(table2)
    mesh = plsc.VectorSubcoreMesh(core_axis_name="c", subcore_axis_name="s")
    k = pl.kernel(
        _sc_body,
        out_type=(
            jax.ShapeDtypeStruct((_B, _D0), jnp.float32),
            jax.ShapeDtypeStruct((_D1, _B), jnp.float32),
        ),
        mesh=mesh,
        compiler_params=pltpu.CompilerParams(needs_layout_passes=False),
        scratch_types=[
            pltpu.VMEM((_BPW,), jnp.int32),
            pltpu.VMEM((_B,), jnp.int32),
            pltpu.VMEM((_SPLIT,), jnp.float32),
            pltpu.VMEM((_E - _SPLIT,), jnp.float32),
            pltpu.VMEM((_B,), jnp.float32),
            pltpu.VMEM((_B,), jnp.float32),
            pltpu.VMEM((_BPW, _D0), jnp.float32),
            pltpu.SemaphoreType.DMA,
            pltpu.SemaphoreType.DMA,
            pltpu.SemaphoreType.DMA,
            pltpu.SemaphoreType.DMA,
        ],
    )
    part0, outt = k(indexes.astype(jnp.int32), table0, t1t, t2t)
    third = jnp.float32(1.0 / 3.0)
    left = part0[:, :_D1] + jnp.transpose(outt)
    return jnp.concatenate([left, part0[:, _D1:]], axis=1) * third

# --- scband reference (transcript-rebuilt; emitter-appended) ---
"""Pipeline reference for scband-mean-reduction-49684181680619 (READ-ONLY COPY).

The authoritative reference and input builder live on the scoring server;
editing this copy changes nothing except your own understanding.
"""

import jax, jax.numpy as jnp
import numpy as np

NUM_ENTITIES = 100000
MODEL_DIMS = [128, 64, 32]
MAX_DIM = max(MODEL_DIMS)
BATCH = 4096


def setup_inputs(seed: int = 0) -> dict:
    key = jax.random.key(seed)
    k_idx, k0, k1, k2 = jax.random.split(key, 4)
    indexes = jax.random.randint(k_idx, (BATCH,), 0, NUM_ENTITIES)
    table0 = jax.random.normal(k0, (NUM_ENTITIES, MODEL_DIMS[0]), dtype=jnp.float32) * 0.02
    table1 = jax.random.normal(k1, (NUM_ENTITIES, MODEL_DIMS[1]), dtype=jnp.float32) * 0.02
    table2 = jax.random.normal(k2, (NUM_ENTITIES, MODEL_DIMS[2]), dtype=jnp.float32) * 0.02
    return {"indexes": indexes, "table0": table0, "table1": table1, "table2": table2}


def reference(indexes, table0, table1, table2):
    # fetch_model_embeddings: per-model embedding lookup
    tables = [table0, table1, table2]
    embed_list = []
    for t in tables:
        e = jnp.take(t, indexes, axis=0)  # [B, d_m]
        # pad_embeds: zero-pad last dim up to max entity dim
        pad = MAX_DIM - e.shape[1]
        e = jnp.pad(e, ((0, 0), (0, pad)), mode="constant", constant_values=0.0)
        # avg_embeds: view(n, 1, -1)
        embed_list.append(e[:, None, :])
    out = jnp.concatenate(embed_list, axis=1)  # [B, n_models, MAX_DIM]
    out = jnp.mean(out, axis=1)  # [B, MAX_DIM]
    return out

if __name__ == "__main__":
    import jax
    _d = setup_inputs()
    print(jax.jit(kernel)(*tuple(_d.values())))

</pallas_src>

<mosaic_0001>
#map = affine_map<(d0, d1) -> (0)>
#map1 = affine_map<(d0, d1) -> (0, 0)>
module attributes {stable_mosaic.version = 14 : i64} {
  func.func @_sc_body(%arg0: i32, %arg1: i32, %arg2: memref<4096xi32, #tpu.memory_space<hbm>>, %arg3: memref<100000x128xf32, #tpu.memory_space<hbm>>, %arg4: memref<64x100000xf32, #tpu.memory_space<hbm>>, %arg5: memref<32x100000xf32, #tpu.memory_space<hbm>>, %arg6: memref<4096x128xf32, #tpu.memory_space<hbm>>, %arg7: memref<64x4096xf32, #tpu.memory_space<hbm>>, %arg8: memref<128xi32, #tpu.memory_space<vmem>>, %arg9: memref<4096xi32, #tpu.memory_space<vmem>>, %arg10: memref<50176xf32, #tpu.memory_space<vmem>>, %arg11: memref<49824xf32, #tpu.memory_space<vmem>>, %arg12: memref<4096xf32, #tpu.memory_space<vmem>>, %arg13: memref<4096xf32, #tpu.memory_space<vmem>>, %arg14: memref<128x128xf32, #tpu.memory_space<vmem>>, %arg15: memref<!tpu.dma_semaphore, #tpu.memory_space<semaphore_mem>>, %arg16: memref<!tpu.dma_semaphore, #tpu.memory_space<semaphore_mem>>, %arg17: memref<!tpu.dma_semaphore, #tpu.memory_space<semaphore_mem>>, %arg18: memref<!tpu.dma_semaphore, #tpu.memory_space<semaphore_mem>>) attributes {dimension_semantics = [#tpu.dimension_semantics<core_parallel>, #tpu.dimension_semantics<subcore_parallel>], iteration_bounds = array<i64: 2, 16>, scalar_prefetch = 0 : i64, scratch_operands = 11 : i64, tpu.core_type = #tpu.core_type<sc_vector_subcore>, window_params = [{transform_indices = #map}, {transform_indices = #map1}, {transform_indices = #map1}, {transform_indices = #map1}, {transform_indices = #map1}, {transform_indices = #map1}]} {
    %mul3A = arith.constant 2 : i32
    %mul3A_0 = arith.muli %arg1, %mul3A : i32
    %add3A = arith.addi %mul3A_0, %arg0 : i32
    %mul3A_1 = arith.constant 128 : i32
    %mul3A_2 = arith.muli %add3A, %mul3A_1 : i32
    "tpu.region"() ({
      %run_scoped3A = tpu.sem_alloc : memref<!tpu.dma_semaphore, #tpu.memory_space<semaphore_mem>>
      %dma_start3A_150 = tpu.memref_slice %arg2[%mul3A_2] : memref<4096xi32, #tpu.memory_space<hbm>> -> memref<128xi32, #tpu.memory_space<hbm>>
      %dma_start3A_151 = tpu.memref_slice %arg2[%mul3A_2] : memref<4096xi32, #tpu.memory_space<hbm>> -> memref<128xi32, #tpu.memory_space<hbm>>
      tpu.enqueue_dma source(%dma_start3A_151 : memref<128xi32, #tpu.memory_space<hbm>>) target(%arg8 : memref<128xi32, #tpu.memory_space<vmem>>) target_semaphore(%run_scoped3A : memref<!tpu.dma_semaphore, #tpu.memory_space<semaphore_mem>>)
      %dma_wait3A_152 = tpu.memref_slice %arg2[%mul3A_2] : memref<4096xi32, #tpu.memory_space<hbm>> -> memref<128xi32, #tpu.memory_space<hbm>>
      %dma_wait3A_153 = tpu.memref_slice %arg2[%mul3A_2] : memref<4096xi32, #tpu.memory_space<hbm>> -> memref<128xi32, #tpu.memory_space<hbm>>
      tpu.wait_dma2 semaphore(%run_scoped3A : memref<!tpu.dma_semaphore, #tpu.memory_space<semaphore_mem>>) src(%dma_wait3A_153 : memref<128xi32, #tpu.memory_space<hbm>>) dst(%arg8 : memref<128xi32, #tpu.memory_space<vmem>>)
      tpu.yield
    }) : () -> ()
    %dma_start3A = arith.constant 0 : i32
    %dma_start3A_3 = arith.constant 0 : i32
    %dma_start3A_4 = tpu.memref_slice %arg3[%dma_start3A, %dma_start3A_3] : memref<100000x128xf32, #tpu.memory_space<hbm>> -> memref<100000x128xf32, #tpu.memory_space<hbm>>
    tpu.enqueue_indirect_dma source(%dma_start3A_4 : memref<100000x128xf32, #tpu.memory_space<hbm>>) target(%arg14 : memref<128x128xf32, #tpu.memory_space<vmem>>) offsets(%arg8 : memref<128xi32, #tpu.memory_space<vmem>>) semaphore(%arg15 : memref<!tpu.dma_semaphore, #tpu.memory_space<semaphore_mem>>)
    "tpu.region"() ({
      %run_scoped3A = tpu.sem_alloc : memref<!tpu.dma_semaphore, #tpu.memory_space<semaphore_mem>>
      tpu.enqueue_dma source(%arg2 : memref<4096xi32, #tpu.memory_space<hbm>>) target(%arg9 : memref<4096xi32, #tpu.memory_space<vmem>>) target_semaphore(%run_scoped3A : memref<!tpu.dma_semaphore, #tpu.memory_space<semaphore_mem>>)
      tpu.wait_dma2 semaphore(%run_scoped3A : memref<!tpu.dma_semaphore, #tpu.memory_space<semaphore_mem>>) src(%arg2 : memref<4096xi32, #tpu.memory_space<hbm>>) dst(%arg9 : memref<4096xi32, #tpu.memory_space<vmem>>)
      tpu.yield
    }) : () -> ()
    %add3A_5 = arith.constant 32 : i32
    %add3A_6 = arith.addi %add3A_5, %add3A : i32
    %add3A_7 = arith.constant 32 : i32
    %add3A_8 = arith.addi %add3A_7, %add3A : i32
    %dma_start3A_9 = arith.constant 0 : i32
    %dma_start3A_10 = tpu.memref_slice %arg4[%add3A, %dma_start3A_9] : memref<64x100000xf32, #tpu.memory_space<hbm>> -> memref<1x50176xf32, #tpu.memory_space<hbm>>
    %dma_start3A_11 = tpu.memref_squeeze %dma_start3A_10 : memref<1x50176xf32, #tpu.memory_space<hbm>> -> memref<50176xf32, #tpu.memory_space<hbm>>
    %dma_start3A_12 = arith.constant 0 : i32
    %dma_start3A_13 = tpu.memref_slice %arg4[%add3A, %dma_start3A_12] : memref<64x100000xf32, #tpu.memory_space<hbm>> -> memref<1x50176xf32, #tpu.memory_space<hbm>>
    %dma_start3A_14 = tpu.memref_squeeze %dma_start3A_13 : memref<1x50176xf32, #tpu.memory_space<hbm>> -> memref<50176xf32, #tpu.memory_space<hbm>>
    tpu.enqueue_dma source(%dma_start3A_14 : memref<50176xf32, #tpu.memory_space<hbm>>) target(%arg10 : memref<50176xf32, #tpu.memory_space<vmem>>) target_semaphore(%arg16 : memref<!tpu.dma_semaphore, #tpu.memory_space<semaphore_mem>>)
    %dma_start3A_15 = arith.constant 50176 : i32
    %dma_start3A_16 = tpu.memref_slice %arg4[%add3A, %dma_start3A_15] : memref<64x100000xf32, #tpu.memory_space<hbm>> -> memref<1x49824xf32, #tpu.memory_space<hbm>>
    %dma_start3A_17 = tpu.memref_squeeze %dma_start3A_16 : memref<1x49824xf32, #tpu.memory_space<hbm>> -> memref<49824xf32, #tpu.memory_space<hbm>>
    %dma_start3A_18 = arith.constant 50176 : i32
    %dma_start3A_19 = tpu.memref_slice %arg4[%add3A, %dma_start3A_18] : memref<64x100000xf32, #tpu.memory_space<hbm>> -> memref<1x49824xf32, #tpu.memory_space<hbm>>
    %dma_start3A_20 = tpu.memref_squeeze %dma_start3A_19 : memref<1x49824xf32, #tpu.memory_space<hbm>> -> memref<49824xf32, #tpu.memory_space<hbm>>
    tpu.enqueue_dma source(%dma_start3A_20 : memref<49824xf32, #tpu.memory_space<hbm>>) target(%arg11 : memref<49824xf32, #tpu.memory_space<vmem>>) target_semaphore(%arg17 : memref<!tpu.dma_semaphore, #tpu.memory_space<semaphore_mem>>)
    %dma_wait3A = arith.constant 0 : i32
    %dma_wait3A_21 = tpu.memref_slice %arg4[%add3A, %dma_wait3A] : memref<64x100000xf32, #tpu.memory_space<hbm>> -> memref<1x50176xf32, #tpu.memory_space<hbm>>
    %dma_wait3A_22 = tpu.memref_squeeze %dma_wait3A_21 : memref<1x50176xf32, #tpu.memory_space<hbm>> -> memref<50176xf32, #tpu.memory_space<hbm>>
    %dma_wait3A_23 = arith.constant 0 : i32
    %dma_wait3A_24 = tpu.memref_slice %arg4[%add3A, %dma_wait3A_23] : memref<64x100000xf32, #tpu.memory_space<hbm>> -> memref<1x50176xf32, #tpu.memory_space<hbm>>
    %dma_wait3A_25 = tpu.memref_squeeze %dma_wait3A_24 : memref<1x50176xf32, #tpu.memory_space<hbm>> -> memref<50176xf32, #tpu.memory_space<hbm>>
    tpu.wait_dma2 semaphore(%arg16 : memref<!tpu.dma_semaphore, #tpu.memory_space<semaphore_mem>>) src(%dma_wait3A_25 : memref<50176xf32, #tpu.memory_space<hbm>>) dst(%arg10 : memref<50176xf32, #tpu.memory_space<vmem>>)
    %scan3A = arith.constant 0 : i32
    %scan3A_26 = arith.constant 0 : i32
    %scan3A_27 = arith.constant 256 : i32
    %scan3A_28 = arith.addi %scan3A_26, %scan3A_27 : i32
    %scan3A_29 = arith.constant 1 : i32
    scf.for %scan3A_150 = %scan3A_26 to %scan3A_28 step %scan3A_29  : i32 {
      %mul3A_151 = arith.constant 16 : i32
      %mul3A_152 = arith.muli %mul3A_151, %scan3A_150 : i32
      %get3A = arith.index_cast %mul3A_152 : i32 to index
      %get3A_153 = tpu.vector_load %arg9[%get3A] {strides = array<i32>} : memref<4096xi32, #tpu.memory_space<vmem>>, vector<16xi32>,
      %lt3A = arith.constant 50176 : i32
      %lt3A_154 = vector.broadcast %lt3A : i32 to vector<16xi32>
      %lt3A_155 = arith.cmpi slt, %get3A_153, %lt3A_154 : vector<16xi32>
      %gather3A = tpu.vector_load_idx %arg10[%get3A_153] masked %lt3A_155 : memref<50176xf32, #tpu.memory_space<vmem>>[vector<16xi32>], vector<16xf32>, vector<16xi1>
      %jit3A = arith.constant 0.000000e+00 : f32
      %broadcast_in_dim3A = vector.broadcast %jit3A : f32 to vector<16xf32>
      %select_n3A = arith.select %lt3A_155, %gather3A, %broadcast_in_dim3A : vector<16xi1>, vector<16xf32>
      %mul3A_156 = arith.constant 16 : i32
      %mul3A_157 = arith.muli %mul3A_156, %scan3A_150 : i32
      %swap3A = arith.index_cast %mul3A_157 : i32 to index
      %swap3A_158 = tpu.vector_load %arg12[%swap3A] {strides = array<i32>} : memref<4096xf32, #tpu.memory_space<vmem>>, vector<16xf32>,
      tpu.vector_store %arg12[%swap3A], %select_n3A {strides = array<i32>} : memref<4096xf32, #tpu.memory_space<vmem>>, vector<16xf32>,
    }
    %scan3A_30 = arith.constant 256 : i32
    %dma_start3A_31 = arith.constant 0 : i32
    %dma_start3A_32 = tpu.memref_slice %arg5[%add3A, %dma_start3A_31] : memref<32x100000xf32, #tpu.memory_space<hbm>> -> memref<1x50176xf32, #tpu.memory_space<hbm>>
    %dma_start3A_33 = tpu.memref_squeeze %dma_start3A_32 : memref<1x50176xf32, #tpu.memory_space<hbm>> -> memref<50176xf32, #tpu.memory_space<hbm>>
    %dma_start3A_34 = arith.constant 0 : i32
    %dma_start3A_35 = tpu.memref_slice %arg5[%add3A, %dma_start3A_34] : memref<32x100000xf32, #tpu.memory_space<hbm>> -> memref<1x50176xf32, #tpu.memory_space<hbm>>
    %dma_start3A_36 = tpu.memref_squeeze %dma_start3A_35 : memref<1x50176xf32, #tpu.memory_space<hbm>> -> memref<50176xf32, #tpu.memory_space<hbm>>
    tpu.enqueue_dma source(%dma_start3A_36 : memref<50176xf32, #tpu.memory_space<hbm>>) target(%arg10 : memref<50176xf32, #tpu.memory_space<vmem>>) target_semaphore(%arg16 : memref<!tpu.dma_semaphore, #tpu.memory_space<semaphore_mem>>)
    %dma_wait3A_37 = arith.constant 50176 : i32
    %dma_wait3A_38 = tpu.memref_slice %arg4[%add3A, %dma_wait3A_37] : memref<64x100000xf32, #tpu.memory_space<hbm>> -> memref<1x49824xf32, #tpu.memory_space<hbm>>
    %dma_wait3A_39 = tpu.memref_squeeze %dma_wait3A_38 : memref<1x49824xf32, #tpu.memory_space<hbm>> -> memref<49824xf32, #tpu.memory_space<hbm>>
    %dma_wait3A_40 = arith.constant 50176 : i32
    %dma_wait3A_41 = tpu.memref_slice %arg4[%add3A, %dma_wait3A_40] : memref<64x100000xf32, #tpu.memory_space<hbm>> -> memref<1x49824xf32, #tpu.memory_space<hbm>>
    %dma_wait3A_42 = tpu.memref_squeeze %dma_wait3A_41 : memref<1x49824xf32, #tpu.memory_space<hbm>> -> memref<49824xf32, #tpu.memory_space<hbm>>
    tpu.wait_dma2 semaphore(%arg17 : memref<!tpu.dma_semaphore, #tpu.memory_space<semaphore_mem>>) src(%dma_wait3A_42 : memref<49824xf32, #tpu.memory_space<hbm>>) dst(%arg11 : memref<49824xf32, #tpu.memory_space<vmem>>)
    %scan3A_43 = arith.constant 0 : i32
    %scan3A_44 = arith.constant 0 : i32
    %scan3A_45 = arith.constant 256 : i32
    %scan3A_46 = arith.addi %scan3A_44, %scan3A_45 : i32
    %scan3A_47 = arith.constant 1 : i32
    scf.for %scan3A_150 = %scan3A_44 to %scan3A_46 step %scan3A_47  : i32 {
      %mul3A_151 = arith.constant 16 : i32
      %mul3A_152 = arith.muli %mul3A_151, %scan3A_150 : i32
      %get3A = arith.index_cast %mul3A_152 : i32 to index
      %get3A_153 = tpu.vector_load %arg9[%get3A] {strides = array<i32>} : memref<4096xi32, #tpu.memory_space<vmem>>, vector<16xi32>,
      %ge3A = arith.constant 50176 : i32
      %ge3A_154 = vector.broadcast %ge3A : i32 to vector<16xi32>
      %ge3A_155 = arith.cmpi sge, %get3A_153, %ge3A_154 : vector<16xi32>
      %sub3A = arith.constant 50176 : i32
      %sub3A_156 = vector.broadcast %sub3A : i32 to vector<16xi32>
      %sub3A_157 = arith.subi %get3A_153, %sub3A_156 : vector<16xi32>
      %gather3A = tpu.vector_load_idx %arg11[%sub3A_157] masked %ge3A_155 : memref<49824xf32, #tpu.memory_space<vmem>>[vector<16xi32>], vector<16xf32>, vector<16xi1>
      %jit3A = arith.constant 0.000000e+00 : f32
      %broadcast_in_dim3A = vector.broadcast %jit3A : f32 to vector<16xf32>
      %select_n3A = arith.select %ge3A_155, %gather3A, %broadcast_in_dim3A : vector<16xi1>, vector<16xf32>
      %mul3A_158 = arith.constant 16 : i32
      %mul3A_159 = arith.muli %mul3A_158, %scan3A_150 : i32
      %get3A_160 = arith.index_cast %mul3A_159 : i32 to index
      %get3A_161 = tpu.vector_load %arg12[%get3A_160] {strides = array<i32>} : memref<4096xf32, #tpu.memory_space<vmem>>, vector<16xf32>,
      %add3A_162 = arith.addf %select_n3A, %get3A_161 : vector<16xf32>
      %mul3A_163 = arith.constant 16 : i32
      %mul3A_164 = arith.muli %mul3A_163, %scan3A_150 : i32
      %swap3A = arith.index_cast %mul3A_164 : i32 to index
      %swap3A_165 = tpu.vector_load %arg12[%swap3A] {strides = array<i32>} : memref<4096xf32, #tpu.memory_space<vmem>>, vector<16xf32>,
      tpu.vector_store %arg12[%swap3A], %add3A_162 {strides = array<i32>} : memref<4096xf32, #tpu.memory_space<vmem>>, vector<16xf32>,
    }
    %scan3A_48 = arith.constant 256 : i32
    %dma_start3A_49 = arith.constant 50176 : i32
    %dma_start3A_50 = tpu.memref_slice %arg5[%add3A, %dma_start3A_49] : memref<32x100000xf32, #tpu.memory_space<hbm>> -> memref<1x49824xf32, #tpu.memory_space<hbm>>
    %dma_start3A_51 = tpu.memref_squeeze %dma_start3A_50 : memref<1x49824xf32, #tpu.memory_space<hbm>> -> memref<49824xf32, #tpu.memory_space<hbm>>
    %dma_start3A_52 = arith.constant 50176 : i32
    %dma_start3A_53 = tpu.memref_slice %arg5[%add3A, %dma_start3A_52] : memref<32x100000xf32, #tpu.memory_space<hbm>> -> memref<1x49824xf32, #tpu.memory_space<hbm>>
    %dma_start3A_54 = tpu.memref_squeeze %dma_start3A_53 : memref<1x49824xf32, #tpu.memory_space<hbm>> -> memref<49824xf32, #tpu.memory_space<hbm>>
    tpu.enqueue_dma source(%dma_start3A_54 : memref<49824xf32, #tpu.memory_space<hbm>>) target(%arg11 : memref<49824xf32, #tpu.memory_space<vmem>>) target_semaphore(%arg17 : memref<!tpu.dma_semaphore, #tpu.memory_space<semaphore_mem>>)
    %dma_wait3A_55 = arith.constant 0 : i32
    %dma_wait3A_56 = arith.constant 0 : i32
    %dma_wait3A_57 = tpu.memref_slice %arg3[%dma_wait3A_55, %dma_wait3A_56] : memref<100000x128xf32, #tpu.memory_space<hbm>> -> memref<100000x128xf32, #tpu.memory_space<hbm>>
    tpu.wait_indirect_dma semaphore(%arg15 : memref<!tpu.dma_semaphore, #tpu.memory_space<semaphore_mem>>) src(%dma_wait3A_57 : memref<100000x128xf32, #tpu.memory_space<hbm>>) dst(%arg14 : memref<128x128xf32, #tpu.memory_space<vmem>>)
    %dma_start3A_58 = arith.constant 0 : i32
    %dma_start3A_59 = tpu.memref_slice %arg6[%mul3A_2, %dma_start3A_58] : memref<4096x128xf32, #tpu.memory_space<hbm>> -> memref<128x128xf32, #tpu.memory_space<hbm>>
    %dma_start3A_60 = arith.constant 0 : i32
    %dma_start3A_61 = tpu.memref_slice %arg6[%mul3A_2, %dma_start3A_60] : memref<4096x128xf32, #tpu.memory_space<hbm>> -> memref<128x128xf32, #tpu.memory_space<hbm>>
    tpu.enqueue_dma source(%arg14 : memref<128x128xf32, #tpu.memory_space<vmem>>) target(%dma_start3A_61 : memref<128x128xf32, #tpu.memory_space<hbm>>) target_semaphore(%arg15 : memref<!tpu.dma_semaphore, #tpu.memory_space<semaphore_mem>>)
    %dma_wait3A_62 = arith.constant 0 : i32
    %dma_wait3A_63 = tpu.memref_slice %arg5[%add3A, %dma_wait3A_62] : memref<32x100000xf32, #tpu.memory_space<hbm>> -> memref<1x50176xf32, #tpu.memory_space<hbm>>
    %dma_wait3A_64 = tpu.memref_squeeze %dma_wait3A_63 : memref<1x50176xf32, #tpu.memory_space<hbm>> -> memref<50176xf32, #tpu.memory_space<hbm>>
    %dma_wait3A_65 = arith.constant 0 : i32
    %dma_wait3A_66 = tpu.memref_slice %arg5[%add3A, %dma_wait3A_65] : memref<32x100000xf32, #tpu.memory_space<hbm>> -> memref<1x50176xf32, #tpu.memory_space<hbm>>
    %dma_wait3A_67 = tpu.memref_squeeze %dma_wait3A_66 : memref<1x50176xf32, #tpu.memory_space<hbm>> -> memref<50176xf32, #tpu.memory_space<hbm>>
    tpu.wait_dma2 semaphore(%arg16 : memref<!tpu.dma_semaphore, #tpu.memory_space<semaphore_mem>>) src(%dma_wait3A_67 : memref<50176xf32, #tpu.memory_space<hbm>>) dst(%arg10 : memref<50176xf32, #tpu.memory_space<vmem>>)
    %scan3A_68 = arith.constant 0 : i32
    %scan3A_69 = arith.constant 0 : i32
    %scan3A_70 = arith.constant 256 : i32
    %scan3A_71 = arith.addi %scan3A_69, %scan3A_70 : i32
    %scan3A_72 = arith.constant 1 : i32
    scf.for %scan3A_150 = %scan3A_69 to %scan3A_71 step %scan3A_72  : i32 {
      %mul3A_151 = arith.constant 16 : i32
      %mul3A_152 = arith.muli %mul3A_151, %scan3A_150 : i32
      %get3A = arith.index_cast %mul3A_152 : i32 to index
      %get3A_153 = tpu.vector_load %arg9[%get3A] {strides = array<i32>} : memref<4096xi32, #tpu.memory_space<vmem>>, vector<16xi32>,
      %lt3A = arith.constant 50176 : i32
      %lt3A_154 = vector.broadcast %lt3A : i32 to vector<16xi32>
      %lt3A_155 = arith.cmpi slt, %get3A_153, %lt3A_154 : vector<16xi32>
      %gather3A = tpu.vector_load_idx %arg10[%get3A_153] masked %lt3A_155 : memref<50176xf32, #tpu.memory_space<vmem>>[vector<16xi32>], vector<16xf32>, vector<16xi1>
      %jit3A = arith.constant 0.000000e+00 : f32
      %broadcast_in_dim3A = vector.broadcast %jit3A : f32 to vector<16xf32>
      %select_n3A = arith.select %lt3A_155, %gather3A, %broadcast_in_dim3A : vector<16xi1>, vector<16xf32>
      %mul3A_156 = arith.constant 16 : i32
      %mul3A_157 = arith.muli %mul3A_156, %scan3A_150 : i32
      %get3A_158 = arith.index_cast %mul3A_157 : i32 to index
      %get3A_159 = tpu.vector_load %arg12[%get3A_158] {strides = array<i32>} : memref<4096xf32, #tpu.memory_space<vmem>>, vector<16xf32>,
      %add3A_160 = arith.addf %select_n3A, %get3A_159 : vector<16xf32>
      %mul3A_161 = arith.constant 16 : i32
      %mul3A_162 = arith.muli %mul3A_161, %scan3A_150 : i32
      %swap3A = arith.index_cast %mul3A_162 : i32 to index
      %swap3A_163 = tpu.vector_load %arg12[%swap3A] {strides = array<i32>} : memref<4096xf32, #tpu.memory_space<vmem>>, vector<16xf32>,
      tpu.vector_store %arg12[%swap3A], %add3A_160 {strides = array<i32>} : memref<4096xf32, #tpu.memory_space<vmem>>, vector<16xf32>,
    }
    %scan3A_73 = arith.constant 256 : i32
    %dma_start3A_74 = arith.constant 0 : i32
    %dma_start3A_75 = tpu.memref_slice %arg4[%add3A_6, %dma_start3A_74] : memref<64x100000xf32, #tpu.memory_space<hbm>> -> memref<1x50176xf32, #tpu.memory_space<hbm>>
    %dma_start3A_76 = tpu.memref_squeeze %dma_start3A_75 : memref<1x50176xf32, #tpu.memory_space<hbm>> -> memref<50176xf32, #tpu.memory_space<hbm>>
    %dma_start3A_77 = arith.constant 0 : i32
    %dma_start3A_78 = tpu.memref_slice %arg4[%add3A_6, %dma_start3A_77] : memref<64x100000xf32, #tpu.memory_space<hbm>> -> memref<1x50176xf32, #tpu.memory_space<hbm>>
    %dma_start3A_79 = tpu.memref_squeeze %dma_start3A_78 : memref<1x50176xf32, #tpu.memory_space<hbm>> -> memref<50176xf32, #tpu.memory_space<hbm>>
    tpu.enqueue_dma source(%dma_start3A_79 : memref<50176xf32, #tpu.memory_space<hbm>>) target(%arg10 : memref<50176xf32, #tpu.memory_space<vmem>>) target_semaphore(%arg16 : memref<!tpu.dma_semaphore, #tpu.memory_space<semaphore_mem>>)
    %dma_wait3A_80 = arith.constant 50176 : i32
    %dma_wait3A_81 = tpu.memref_slice %arg5[%add3A, %dma_wait3A_80] : memref<32x100000xf32, #tpu.memory_space<hbm>> -> memref<1x49824xf32, #tpu.memory_space<hbm>>
    %dma_wait3A_82 = tpu.memref_squeeze %dma_wait3A_81 : memref<1x49824xf32, #tpu.memory_space<hbm>> -> memref<49824xf32, #tpu.memory_space<hbm>>
    %dma_wait3A_83 = arith.constant 50176 : i32
    %dma_wait3A_84 = tpu.memref_slice %arg5[%add3A, %dma_wait3A_83] : memref<32x100000xf32, #tpu.memory_space<hbm>> -> memref<1x49824xf32, #tpu.memory_space<hbm>>
    %dma_wait3A_85 = tpu.memref_squeeze %dma_wait3A_84 : memref<1x49824xf32, #tpu.memory_space<hbm>> -> memref<49824xf32, #tpu.memory_space<hbm>>
    tpu.wait_dma2 semaphore(%arg17 : memref<!tpu.dma_semaphore, #tpu.memory_space<semaphore_mem>>) src(%dma_wait3A_85 : memref<49824xf32, #tpu.memory_space<hbm>>) dst(%arg11 : memref<49824xf32, #tpu.memory_space<vmem>>)
    %scan3A_86 = arith.constant 0 : i32
    %scan3A_87 = arith.constant 0 : i32
    %scan3A_88 = arith.constant 256 : i32
    %scan3A_89 = arith.addi %scan3A_87, %scan3A_88 : i32
    %scan3A_90 = arith.constant 1 : i32
    scf.for %scan3A_150 = %scan3A_87 to %scan3A_89 step %scan3A_90  : i32 {
      %mul3A_151 = arith.constant 16 : i32
      %mul3A_152 = arith.muli %mul3A_151, %scan3A_150 : i32
      %get3A = arith.index_cast %mul3A_152 : i32 to index
      %get3A_153 = tpu.vector_load %arg9[%get3A] {strides = array<i32>} : memref<4096xi32, #tpu.memory_space<vmem>>, vector<16xi32>,
      %ge3A = arith.constant 50176 : i32
      %ge3A_154 = vector.broadcast %ge3A : i32 to vector<16xi32>
      %ge3A_155 = arith.cmpi sge, %get3A_153, %ge3A_154 : vector<16xi32>
      %sub3A = arith.constant 50176 : i32
      %sub3A_156 = vector.broadcast %sub3A : i32 to vector<16xi32>
      %sub3A_157 = arith.subi %get3A_153, %sub3A_156 : vector<16xi32>
      %gather3A = tpu.vector_load_idx %arg11[%sub3A_157] masked %ge3A_155 : memref<49824xf32, #tpu.memory_space<vmem>>[vector<16xi32>], vector<16xf32>, vector<16xi1>
      %jit3A = arith.constant 0.000000e+00 : f32
      %broadcast_in_dim3A = vector.broadcast %jit3A : f32 to vector<16xf32>
      %select_n3A = arith.select %ge3A_155, %gather3A, %broadcast_in_dim3A : vector<16xi1>, vector<16xf32>
      %mul3A_158 = arith.constant 16 : i32
      %mul3A_159 = arith.muli %mul3A_158, %scan3A_150 : i32
      %get3A_160 = arith.index_cast %mul3A_159 : i32 to index
      %get3A_161 = tpu.vector_load %arg12[%get3A_160] {strides = array<i32>} : memref<4096xf32, #tpu.memory_space<vmem>>, vector<16xf32>,
      %add3A_162 = arith.addf %select_n3A, %get3A_161 : vector<16xf32>
      %mul3A_163 = arith.constant 16 : i32
      %mul3A_164 = arith.muli %mul3A_163, %scan3A_150 : i32
      %swap3A = arith.index_cast %mul3A_164 : i32 to index
      %swap3A_165 = tpu.vector_load %arg12[%swap3A] {strides = array<i32>} : memref<4096xf32, #tpu.memory_space<vmem>>, vector<16xf32>,
      tpu.vector_store %arg12[%swap3A], %add3A_162 {strides = array<i32>} : memref<4096xf32, #tpu.memory_space<vmem>>, vector<16xf32>,
    }
    %scan3A_91 = arith.constant 256 : i32
    %dma_start3A_92 = arith.constant 50176 : i32
    %dma_start3A_93 = tpu.memref_slice %arg4[%add3A_6, %dma_start3A_92] : memref<64x100000xf32, #tpu.memory_space<hbm>> -> memref<1x49824xf32, #tpu.memory_space<hbm>>
    %dma_start3A_94 = tpu.memref_squeeze %dma_start3A_93 : memref<1x49824xf32, #tpu.memory_space<hbm>> -> memref<49824xf32, #tpu.memory_space<hbm>>
    %dma_start3A_95 = arith.constant 50176 : i32
    %dma_start3A_96 = tpu.memref_slice %arg4[%add3A_6, %dma_start3A_95] : memref<64x100000xf32, #tpu.memory_space<hbm>> -> memref<1x49824xf32, #tpu.memory_space<hbm>>
    %dma_start3A_97 = tpu.memref_squeeze %dma_start3A_96 : memref<1x49824xf32, #tpu.memory_space<hbm>> -> memref<49824xf32, #tpu.memory_space<hbm>>
    tpu.enqueue_dma source(%dma_start3A_97 : memref<49824xf32, #tpu.memory_space<hbm>>) target(%arg11 : memref<49824xf32, #tpu.memory_space<vmem>>) target_semaphore(%arg17 : memref<!tpu.dma_semaphore, #tpu.memory_space<semaphore_mem>>)
    %dma_start3A_98 = arith.constant 0 : i32
    %dma_start3A_99 = tpu.memref_slice %arg7[%add3A, %dma_start3A_98] : memref<64x4096xf32, #tpu.memory_space<hbm>> -> memref<1x4096xf32, #tpu.memory_space<hbm>>
    %dma_start3A_100 = tpu.memref_squeeze %dma_start3A_99 : memref<1x4096xf32, #tpu.memory_space<hbm>> -> memref<4096xf32, #tpu.memory_space<hbm>>
    %dma_start3A_101 = arith.constant 0 : i32
    %dma_start3A_102 = tpu.memref_slice %arg7[%add3A, %dma_start3A_101] : memref<64x4096xf32, #tpu.memory_space<hbm>> -> memref<1x4096xf32, #tpu.memory_space<hbm>>
    %dma_start3A_103 = tpu.memref_squeeze %dma_start3A_102 : memref<1x4096xf32, #tpu.memory_space<hbm>> -> memref<4096xf32, #tpu.memory_space<hbm>>
    tpu.enqueue_dma source(%arg12 : memref<4096xf32, #tpu.memory_space<vmem>>) target(%dma_start3A_103 : memref<4096xf32, #tpu.memory_space<hbm>>) target_semaphore(%arg18 : memref<!tpu.dma_semaphore, #tpu.memory_space<semaphore_mem>>)
    %dma_wait3A_104 = arith.constant 0 : i32
    %dma_wait3A_105 = tpu.memref_slice %arg4[%add3A_6, %dma_wait3A_104] : memref<64x100000xf32, #tpu.memory_space<hbm>> -> memref<1x50176xf32, #tpu.memory_space<hbm>>
    %dma_wait3A_106 = tpu.memref_squeeze %dma_wait3A_105 : memref<1x50176xf32, #tpu.memory_space<hbm>> -> memref<50176xf32, #tpu.memory_space<hbm>>
    %dma_wait3A_107 = arith.constant 0 : i32
    %dma_wait3A_108 = tpu.memref_slice %arg4[%add3A_6, %dma_wait3A_107] : memref<64x100000xf32, #tpu.memory_space<hbm>> -> memref<1x50176xf32, #tpu.memory_space<hbm>>
    %dma_wait3A_109 = tpu.memref_squeeze %dma_wait3A_108 : memref<1x50176xf32, #tpu.memory_space<hbm>> -> memref<50176xf32, #tpu.memory_space<hbm>>
    tpu.wait_dma2 semaphore(%arg16 : memref<!tpu.dma_semaphore, #tpu.memory_space<semaphore_mem>>) src(%dma_wait3A_109 : memref<50176xf32, #tpu.memory_space<hbm>>) dst(%arg10 : memref<50176xf32, #tpu.memory_space<vmem>>)
    %scan3A_110 = arith.constant 0 : i32
    %scan3A_111 = arith.constant 0 : i32
    %scan3A_112 = arith.constant 256 : i32
    %scan3A_113 = arith.addi %scan3A_111, %scan3A_112 : i32
    %scan3A_114 = arith.constant 1 : i32
    scf.for %scan3A_150 = %scan3A_111 to %scan3A_113 step %scan3A_114  : i32 {
      %mul3A_151 = arith.constant 16 : i32
      %mul3A_152 = arith.muli %mul3A_151, %scan3A_150 : i32
      %get3A = arith.index_cast %mul3A_152 : i32 to index
      %get3A_153 = tpu.vector_load %arg9[%get3A] {strides = array<i32>} : memref<4096xi32, #tpu.memory_space<vmem>>, vector<16xi32>,
      %lt3A = arith.constant 50176 : i32
      %lt3A_154 = vector.broadcast %lt3A : i32 to vector<16xi32>
      %lt3A_155 = arith.cmpi slt, %get3A_153, %lt3A_154 : vector<16xi32>
      %gather3A = tpu.vector_load_idx %arg10[%get3A_153] masked %lt3A_155 : memref<50176xf32, #tpu.memory_space<vmem>>[vector<16xi32>], vector<16xf32>, vector<16xi1>
      %jit3A = arith.constant 0.000000e+00 : f32
      %broadcast_in_dim3A = vector.broadcast %jit3A : f32 to vector<16xf32>
      %select_n3A = arith.select %lt3A_155, %gather3A, %broadcast_in_dim3A : vector<16xi1>, vector<16xf32>
      %mul3A_156 = arith.constant 16 : i32
      %mul3A_157 = arith.muli %mul3A_156, %scan3A_150 : i32
      %swap3A = arith.index_cast %mul3A_157 : i32 to index
      %swap3A_158 = tpu.vector_load %arg13[%swap3A] {strides = array<i32>} : memref<4096xf32, #tpu.memory_space<vmem>>, vector<16xf32>,
      tpu.vector_store %arg13[%swap3A], %select_n3A {strides = array<i32>} : memref<4096xf32, #tpu.memory_space<vmem>>, vector<16xf32>,
    }
    %scan3A_115 = arith.constant 256 : i32
    %dma_wait3A_116 = arith.constant 50176 : i32
    %dma_wait3A_117 = tpu.memref_slice %arg4[%add3A_6, %dma_wait3A_116] : memref<64x100000xf32, #tpu.memory_space<hbm>> -> memref<1x49824xf32, #tpu.memory_space<hbm>>
    %dma_wait3A_118 = tpu.memref_squeeze %dma_wait3A_117 : memref<1x49824xf32, #tpu.memory_space<hbm>> -> memref<49824xf32, #tpu.memory_space<hbm>>
    %dma_wait3A_119 = arith.constant 50176 : i32
    %dma_wait3A_120 = tpu.memref_slice %arg4[%add3A_6, %dma_wait3A_119] : memref<64x100000xf32, #tpu.memory_space<hbm>> -> memref<1x49824xf32, #tpu.memory_space<hbm>>
    %dma_wait3A_121 = tpu.memref_squeeze %dma_wait3A_120 : memref<1x49824xf32, #tpu.memory_space<hbm>> -> memref<49824xf32, #tpu.memory_space<hbm>>
    tpu.wait_dma2 semaphore(%arg17 : memref<!tpu.dma_semaphore, #tpu.memory_space<semaphore_mem>>) src(%dma_wait3A_121 : memref<49824xf32, #tpu.memory_space<hbm>>) dst(%arg11 : memref<49824xf32, #tpu.memory_space<vmem>>)
    %scan3A_122 = arith.constant 0 : i32
    %scan3A_123 = arith.constant 0 : i32
    %scan3A_124 = arith.constant 256 : i32
    %scan3A_125 = arith.addi %scan3A_123, %scan3A_124 : i32
    %scan3A_126 = arith.constant 1 : i32
    scf.for %scan3A_150 = %scan3A_123 to %scan3A_125 step %scan3A_126  : i32 {
      %mul3A_151 = arith.constant 16 : i32
      %mul3A_152 = arith.muli %mul3A_151, %scan3A_150 : i32
      %get3A = arith.index_cast %mul3A_152 : i32 to index
      %get3A_153 = tpu.vector_load %arg9[%get3A] {strides = array<i32>} : memref<4096xi32, #tpu.memory_space<vmem>>, vector<16xi32>,
      %ge3A = arith.constant 50176 : i32
      %ge3A_154 = vector.broadcast %ge3A : i32 to vector<16xi32>
      %ge3A_155 = arith.cmpi sge, %get3A_153, %ge3A_154 : vector<16xi32>
      %sub3A = arith.constant 50176 : i32
      %sub3A_156 = vector.broadcast %sub3A : i32 to vector<16xi32>
      %sub3A_157 = arith.subi %get3A_153, %sub3A_156 : vector<16xi32>
      %gather3A = tpu.vector_load_idx %arg11[%sub3A_157] masked %ge3A_155 : memref<49824xf32, #tpu.memory_space<vmem>>[vector<16xi32>], vector<16xf32>, vector<16xi1>
      %jit3A = arith.constant 0.000000e+00 : f32
      %broadcast_in_dim3A = vector.broadcast %jit3A : f32 to vector<16xf32>
      %select_n3A = arith.select %ge3A_155, %gather3A, %broadcast_in_dim3A : vector<16xi1>, vector<16xf32>
      %mul3A_158 = arith.constant 16 : i32
      %mul3A_159 = arith.muli %mul3A_158, %scan3A_150 : i32
      %get3A_160 = arith.index_cast %mul3A_159 : i32 to index
      %get3A_161 = tpu.vector_load %arg13[%get3A_160] {strides = array<i32>} : memref<4096xf32, #tpu.memory_space<vmem>>, vector<16xf32>,
      %add3A_162 = arith.addf %select_n3A, %get3A_161 : vector<16xf32>
      %mul3A_163 = arith.constant 16 : i32
      %mul3A_164 = arith.muli %mul3A_163, %scan3A_150 : i32
      %swap3A = arith.index_cast %mul3A_164 : i32 to index
      %swap3A_165 = tpu.vector_load %arg13[%swap3A] {strides = array<i32>} : memref<4096xf32, #tpu.memory_space<vmem>>, vector<16xf32>,
      tpu.vector_store %arg13[%swap3A], %add3A_162 {strides = array<i32>} : memref<4096xf32, #tpu.memory_space<vmem>>, vector<16xf32>,
    }
    %scan3A_127 = arith.constant 256 : i32
    %dma_start3A_128 = arith.constant 0 : i32
    %dma_start3A_129 = tpu.memref_slice %arg7[%add3A_8, %dma_start3A_128] : memref<64x4096xf32, #tpu.memory_space<hbm>> -> memref<1x4096xf32, #tpu.memory_space<hbm>>
    %dma_start3A_130 = tpu.memref_squeeze %dma_start3A_129 : memref<1x4096xf32, #tpu.memory_space<hbm>> -> memref<4096xf32, #tpu.memory_space<hbm>>
    %dma_start3A_131 = arith.constant 0 : i32
    %dma_start3A_132 = tpu.memref_slice %arg7[%add3A_8, %dma_start3A_131] : memref<64x4096xf32, #tpu.memory_space<hbm>> -> memref<1x4096xf32, #tpu.memory_space<hbm>>
    %dma_start3A_133 = tpu.memref_squeeze %dma_start3A_132 : memref<1x4096xf32, #tpu.memory_space<hbm>> -> memref<4096xf32, #tpu.memory_space<hbm>>
    tpu.enqueue_dma source(%arg13 : memref<4096xf32, #tpu.memory_space<vmem>>) target(%dma_start3A_133 : memref<4096xf32, #tpu.memory_space<hbm>>) target_semaphore(%arg18 : memref<!tpu.dma_semaphore, #tpu.memory_space<semaphore_mem>>)
    %dma_wait3A_134 = arith.constant 0 : i32
    %dma_wait3A_135 = tpu.memref_slice %arg6[%mul3A_2, %dma_wait3A_134] : memref<4096x128xf32, #tpu.memory_space<hbm>> -> memref<128x128xf32, #tpu.memory_space<hbm>>
    %dma_wait3A_136 = arith.constant 0 : i32
    %dma_wait3A_137 = tpu.memref_slice %arg6[%mul3A_2, %dma_wait3A_136] : memref<4096x128xf32, #tpu.memory_space<hbm>> -> memref<128x128xf32, #tpu.memory_space<hbm>>
    tpu.wait_dma2 semaphore(%arg15 : memref<!tpu.dma_semaphore, #tpu.memory_space<semaphore_mem>>) src(%arg14 : memref<128x128xf32, #tpu.memory_space<vmem>>) dst(%dma_wait3A_137 : memref<128x128xf32, #tpu.memory_space<hbm>>)
    %dma_wait3A_138 = arith.constant 0 : i32
    %dma_wait3A_139 = tpu.memref_slice %arg7[%add3A_8, %dma_wait3A_138] : memref<64x4096xf32, #tpu.memory_space<hbm>> -> memref<1x4096xf32, #tpu.memory_space<hbm>>
    %dma_wait3A_140 = tpu.memref_squeeze %dma_wait3A_139 : memref<1x4096xf32, #tpu.memory_space<hbm>> -> memref<4096xf32, #tpu.memory_space<hbm>>
    %dma_wait3A_141 = arith.constant 0 : i32
    %dma_wait3A_142 = tpu.memref_slice %arg7[%add3A_8, %dma_wait3A_141] : memref<64x4096xf32, #tpu.memory_space<hbm>> -> memref<1x4096xf32, #tpu.memory_space<hbm>>
    %dma_wait3A_143 = tpu.memref_squeeze %dma_wait3A_142 : memref<1x4096xf32, #tpu.memory_space<hbm>> -> memref<4096xf32, #tpu.memory_space<hbm>>
    tpu.wait_dma2 semaphore(%arg18 : memref<!tpu.dma_semaphore, #tpu.memory_space<semaphore_mem>>) src(%arg13 : memref<4096xf32, #tpu.memory_space<vmem>>) dst(%dma_wait3A_143 : memref<4096xf32, #tpu.memory_space<hbm>>)
    %dma_wait3A_144 = arith.constant 0 : i32
    %dma_wait3A_145 = tpu.memref_slice %arg7[%add3A, %dma_wait3A_144] : memref<64x4096xf32, #tpu.memory_space<hbm>> -> memref<1x4096xf32, #tpu.memory_space<hbm>>
    %dma_wait3A_146 = tpu.memref_squeeze %dma_wait3A_145 : memref<1x4096xf32, #tpu.memory_space<hbm>> -> memref<4096xf32, #tpu.memory_space<hbm>>
    %dma_wait3A_147 = arith.constant 0 : i32
    %dma_wait3A_148 = tpu.memref_slice %arg7[%add3A, %dma_wait3A_147] : memref<64x4096xf32, #tpu.memory_space<hbm>> -> memref<1x4096xf32, #tpu.memory_space<hbm>>
    %dma_wait3A_149 = tpu.memref_squeeze %dma_wait3A_148 : memref<1x4096xf32, #tpu.memory_space<hbm>> -> memref<4096xf32, #tpu.memory_space<hbm>>
    tpu.wait_dma2 semaphore(%arg18 : memref<!tpu.dma_semaphore, #tpu.memory_space<semaphore_mem>>) src(%arg12 : memref<4096xf32, #tpu.memory_space<vmem>>) dst(%dma_wait3A_149 : memref<4096xf32, #tpu.memory_space<hbm>>)
    return
  }
}

</mosaic_0001>

<sc_bundles>
// kernel: kernel.3.cloned.1.call-start
scs
__scs_entry_jumppad:
0x0: {  	(pc) =	sbr.rel $0x88, $3  }
0x1: {  	(tag) =	ssettag $0x0;
	lr =	simm.s32 $0x1  }
0x2: {  	[smem:$0x3F9D] =	sst lr;
	_ =	strace $0xD0000000  }
0x3: {  	_ = 	snop  }
0x4: {  	_ = 	snop  }
0x5: {  	_ = 	snop  }
0x6: {  	_ = 	snop  }
0x7: {  	_ = 	snop  }
__scs_overlays_trampoline_lowered:
0x8: {  	[smem:$0x3FAC] =	sst s0  }
0x9: {  	[smem:$0x3FAD] =	sst s1  }
0xa: {  	[smem:$0x3FAE] =	sst s2  }
0xb: {  	[smem:$0x3FAF] =	sst s3  }
0xc: {  	[smem:$0x3FB0] =	sst s4  }
0xd: {  	[smem:$0x3FB1] =	sst s5  }
0xe: {  	[smem:$0x3FB2] =	sst s6  }
0xf: {  	[smem:$0x3FB3] =	sst s7  }
0x10: {  	[smem:$0x3FB4] =	sst s8  }
0x11: {  	[smem:$0x3FB5] =	sst s9;
	s0 =	simm.s32 @!p0 $0x0  }
0x12: {  	s1 =	sld [smem:$0x3F9B];
	s0 =	simm.s32 @p0 $0x1  }
0x13: {  	[smem:$0x3FB6] =	sst s0;
	s0 =	simm.s32 @!p1 $0x0  }
0x14: {  	s2 =	sld [smem:$0x3F9A];
	s0 =	simm.s32 @p1 $0x1  }
0x15: {  	[smem:$0x3FB7] =	sst s0;
	s0 =	simm.s32 @!p2 $0x0  }
0x16: {  	s3 =	sld [smem:$0x3FDB];
	s0 =	simm.s32 @p2 $0x1  }
0x17: {  	s4 =	simm.s32 $0x1BF5;
	[smem:$0x3FB9] =	sst s0  }
0x18: {  	s0 =	sld [smem:$0x3F9C];
	_ =	swait.ge [sflag:s4], $0x0  }
0x19: {  	s7 =	sld [smem:$0x3F9D]  }
0x1a: {  	s8 =	sadd.s32 $0xFFFFE003, lr  }
0x1b: {  	s9 =	sadd.s32 $0xFFFFFEF7, lr;
	s5 =	simm.s32 $0xFFFFFFFF;
	p2 =	slt.u32 s8, $0xFFFFF086  }
0x1c: {  	p1 =	slt.u32 s9, $0xF7A;
	s5 =	simm.s32 @!p2 $0x0  }
0x1d: {  	s5 =	simm.s32 @p1 $0x1;
	p0 =	seq.s32 s7, s2  }
0x1e: {  	s7 =	smul.u32 @!p0 $0xF7A, s2;
	p2 =	seq.s32 @!p0 s5, $0x0  }
0x1f: {  	s9 =	smul.u32 $0xF7A, s1;
	s8 =	simm.s32 @!p0 $0x1BF5;
	p2 =	por !p2, p0  }
0x20: {  	[sflag:s8] =	ssyncset.s32 @!p0 $0xFFFFF086;
	s6 =	sadd.s32 @!p0 s3, s7;
	s7 =	simm.s32 @!p0 $0x108  }
0x21: {  	s3 =	sadd.s32 s3, s9;
	s6 =	sadd.s32 @!p0 $0x88, s6;
	s7 =	simm.s32 @p2 $0x1082  }
0x22: {  	[simem:s7], [sflag:s8] =	dma.local @!p0 [hbm:s6], $0xF7A  }
0x23: {  	s9 =	sor.u32 $0xD0000000, s2;
	s6 =	simm.s32 $0x108;
	_ =	swait.ge @!p0 [sflag:s8], $0x0  }
0x24: {  	s3 =	sadd.s32 $0x88, s3;
	s6 =	simm.s32 @!p1 $0x1082;
	[sflag:s4] =	ssyncset.s32 $0xFFFFF086  }
0x25: {  	[simem:s6], [sflag:s4] =	dma.local [hbm:s3], $0xF7A  }
0x26: {  	[smem:$0x3F9D] =	sst s1;
	(tag) =	ssettag s2;
	_ =	strace s9  }
0x27: {  	s1 =	sld [smem:$0x3FAD]  }
0x28: {  	s2 =	sld [smem:$0x3FAE]  }
0x29: {  	s4 =	sld [smem:$0x3FB0]  }
0x2a: {  	p0 =	seq.s32 s5, $0x0;
	s5 =	sld [smem:$0x3FB1]  }
0x2b: {  	s6 =	sld [smem:$0x3FB2]  }
0x2c: {  	s7 =	sld [smem:$0x3FB3]  }
0x2d: {  	s3 =	simm.s32 $0x108;
	s8 =	sld [smem:$0x3FB4]  }
0x2e: {  	s3 =	simm.s32 @!p0 $0x1082;
	s9 =	sld [smem:$0x3FB5]  }
0x2f: {  	lr =	sadd.s32 s0, s3;
	s0 =	sld [smem:$0x3FAC]  }
0x30: {  	s3 =	sld [smem:$0x3FAF]  }
0x31: {  	[smem:$0x3FB8] =	sst s10  }
0x32: {  	s10 =	sld [smem:$0x3FB6];
	_ =	sdelay $0x3  }
0x33: {  	p0 =	seq.s32 s10, $0x1;
	s10 =	sld [smem:$0x3FB8];
	_ =	sdelay $0x3  }
0x34: {  	[smem:$0x3FB8] =	sst s10  }
0x35: {  	s10 =	sld [smem:$0x3FB7];
	_ =	sdelay $0x3  }
0x36: {  	p1 =	seq.s32 s10, $0x1;
	s10 =	sld [smem:$0x3FB8];
	_ =	sdelay $0x3  }
0x37: {  	[smem:$0x3FB8] =	sst s10  }
0x38: {  	s10 =	sld [smem:$0x3FB9]  }
0x39: {  	_ = 	snop;
	(pc) =	sbr.ind lr, $3  }
0x3a: {  	_ = 	snop  }
0x3b: {  	_ = 	snop  }
0x3c: {  	p2 =	seq.s32 s10, $0x1;
	s10 =	sld [smem:$0x3FB8]  }
0x3d: {  	_ =	shalt  }
0x3e: {  	_ =	shalt  }
0x3f: {  	_ =	shalt  }
0x40: {  	_ =	shalt  }
0x41: {  	_ =	shalt  }
0x42: {  	_ =	shalt  }
0x43: {  	_ =	shalt  }
0x44: {  	_ =	shalt  }
0x45: {  	_ =	shalt  }
0x46: {  	_ =	shalt  }
0x47: {  	_ =	shalt  }
0x48: {  	_ =	shalt  }
0x49: {  	_ =	shalt  }
0x4a: {  	_ =	shalt  }
0x4b: {  	_ =	shalt  }
0x4c: {  	_ =	shalt  }
0x4d: {  	_ =	shalt  }
0x4e: {  	_ =	shalt  }
0x4f: {  	_ =	shalt  }
0x50: {  	_ =	shalt  }
0x51: {  	_ =	shalt  }
0x52: {  	_ =	shalt  }
0x53: {  	_ =	shalt  }
0x54: {  	_ =	shalt  }
0x55: {  	_ =	shalt  }
0x56: {  	_ =	shalt  }
0x57: {  	_ =	shalt  }
0x58: {  	_ =	shalt  }
0x59: {  	_ =	shalt  }
0x5a: {  	_ =	shalt  }
0x5b: {  	_ =	shalt  }
0x5c: {  	_ =	shalt  }
0x5d: {  	_ =	shalt  }
0x5e: {  	_ =	shalt  }
0x5f: {  	_ =	shalt  }
0x60: {  	_ =	shalt  }
0x61: {  	_ =	shalt  }
0x62: {  	_ =	shalt  }
0x63: {  	_ =	shalt  }
0x64: {  	_ =	shalt  }
0x65: {  	_ =	shalt  }
0x66: {  	_ =	shalt  }
0x67: {  	_ =	shalt  }
0x68: {  	_ =	shalt  }
0x69: {  	_ =	shalt  }
0x6a: {  	_ =	shalt  }
0x6b: {  	_ =	shalt  }
0x6c: {  	_ =	shalt  }
0x6d: {  	_ =	shalt  }
0x6e: {  	_ =	shalt  }
0x6f: {  	_ =	shalt  }
0x70: {  	_ =	shalt  }
0x71: {  	_ =	shalt  }
0x72: {  	_ =	shalt  }
0x73: {  	_ =	shalt  }
0x74: {  	_ =	shalt  }
0x75: {  	_ =	shalt  }
0x76: {  	_ =	shalt  }
0x77: {  	_ =	shalt  }
0x78: {  	_ =	shalt  }
0x79: {  	_ =	shalt  }
0x7a: {  	_ =	shalt  }
0x7b: {  	_ =	shalt  }
0x7c: {  	_ =	shalt  }
0x7d: {  	_ =	shalt  }
0x7e: {  	_ =	shalt  }
0x7f: {  	_ =	shalt  }
0x80: {  	_ =	shalt  }
0x81: {  	_ =	shalt  }
0x82: {  	_ =	shalt  }
0x83: {  	_ =	shalt  }
0x84: {  	_ =	shalt  }
0x85: {  	_ =	shalt  }
0x86: {  	_ =	shalt  }
0x87: {  	_ =	shalt  }
.Lfunc_end0:
.L_simem_size_0:
called_computation_lowered:
.L_overlay_start_0:
0x88: {  	s2 =	sld [smem:$0x3FD9]  }
0x89: {  	s3 =	sld [smem:$0x3FFE];
	_ =	sdelay $0x1  }
0x8a: {  	s1 =	srdreg.scid  }
0x8b: {  	s0 =	sand.u32 $0x1, s1  }
0x8c: {  	s17 =	sshll.u32 s0, $0xA;
	s2 =	sadd.s32 s3, s2  }
0x8d: {  	s2 =	sadd.s32 s2, s17  }
0x8e: {  	[smem:$0x3FC4] =	sst s2  }
0x8f: {  	_ = 	snop  }
0x90: {  	s2 =	sld [smem:$0x3FC9]  }
0x91: {  	s18 =	sld [smem:$0x3FC8]  }
0x92: {  	s4 =	sld [smem:$0x3FC7]  }
0x93: {  	s5 =	sld [smem:$0x3FC6]  }
0x94: {  	s6 =	sld [smem:$0x3FD0];
	(tm) =	ssettm $0x1  }
0x95: {  	s7 =	sld [smem:$0x3FFB];
	_ =	sdelay $0x3  }
0x96: {  	_ =	strace s7  }
0x97: {  	s7 =	sld [smem:$0x3FFC];
	_ =	sdelay $0x3  }
0x98: {  	_ =	strace s7  }
0x99: {  	s7 =	sld [smem:$0x3FFD];
	_ =	sdelay $0x3  }
0x9a: {  	_ =	strace s7  }
0x9b: {  	_ =	strace $0x8FFFFFFF  }
0x9c: {  	s19 =	sld [smem:$0x3FDB];
	_ =	sdelay $0x1  }
0x9d: {  	s8 =	simm.s32 $_scs_section_size  }
0x9e: {  	s9 =	simm.s32 $_size__tile_overlayer_lowered;
	s10 =	simm.s32 $_tile_overlayer_lowered  }
0x9f: {  	s22 =	simm.s32 $0x1BFF;
	s21 =	sshll.u32 s10, $0x1;
	s7 =	sadd.s32 s8, s19  }
0xa0: {  	s11 =	simm.s32 $0x0;
	s20 =	sshll.u32 s9, $0x1;
	s9 =	sadd.s32 s21, s7  }
0xa1: {  	[timem:s11], [sflag:s22] =	dma.local [hbm:s9], s20  }
0xa2: {  	_ =	swait.ge [sflag:s22], s20  }
0xa3: {  	s8 =	ssub.s32 $0x0, s20;
	[sflag:s22] =	ssyncset.done $0x0  }
0xa4: {  	[sflag:s22] =	ssyncadd.s32 s8;
	_ =	sdelay $0x1  }
0xa5: {  	s23 =	simm.s32 $0x1B8B  }
0xa6: {  	_ =	swait.ge [sflag:s23], $0x1  }
0xa7: {  	[sflag:s23] =	ssyncset.done $0x0  }
0xa8: {  	s25 =	simm.s32 $0x1B8E;
	s24 =	sld [smem:$0x3FFE];
	[sflag:s23] =	ssyncadd.s32 $0xFFFFFFFF  }
0xa9: {  	s26 =	simm.s32 $execute0_lowered;
	[smem:$0x3FD2] =	sst s25  }
0xaa: {  	s9 =	sshll.u32 s26, $0x1;
	_ =	strace $0x80000046;
	[dreg:$0x1] =	wrdreg $0xFFFFFFFF  }
0xab: {  	s28 =	simm.s32 $_size_execute0_lowered;
	s7 =	sadd.s32 s7, s9;
	[dreg:$0x0] =	wrdreg $0x0  }
0xac: {  	s9 =	sshll.u32 s28, $0x1;
	[dreg:$0x2] =	wrdreg s7  }
0xad: {  	[dreg:$0x3] =	wrdreg s9  }
0xae: {  	[dreg:$0x4] =	wrdreg $0xC0  }
0xaf: {  	_ =	task [dreg:s11], $0x5FFFF  }
0xb0: {  	[dreg:$0x1] =	wrdreg $0xFFFFFFFF  }
0xb1: {  	[dreg:$0x0] =	wrdreg $0x60  }
0xb2: {  	[dreg:$0x2] =	wrdreg s2  }
0xb3: {  	[dreg:$0x3] =	wrdreg s18  }
0xb4: {  	[dreg:$0x4] =	wrdreg s4  }
0xb5: {  	[dreg:$0x5] =	wrdreg s5  }
0xb6: {  	[dreg:$0x6] =	wrdreg s6  }
0xb7: {  	[dreg:$0x7] =	wrdreg s24  }
0xb8: {  	[dreg:$0x8] =	wrdreg $0x9  }
0xb9: {  	_ =	task.clear_ibuf [dreg:s11], $0x9FFFF;
	_ =	strace $0x90000046  }
0xba: {  	s29 =	simm.s32 $0x9;
	_ =	strace $0x80000048  }
0xbb: {  	_ =	swait.ge [sflag:s29], $0x1  }
0xbc: {  	[sflag:s29] =	ssyncadd.s32 $0xFFFFFFFF  }
0xbd: {  	_ =	strace $0x90000048  }
0xbe: {  	_ =	sfence  }
0xbf: {  	s30 =	sld [smem:$0x0];
	_ =	sdelay $0x2  }
0xc0: {  	s31 =	sshll.u32 s1, $0xD;
	s1 =	sshrl.u32 s1, $0x2  }
0xc1: {  	s3 =	sand.u32 $0x4000, s31;
	s1 =	sadd.s32 s1, s30  }
0xc2: {  	s0 =	sor.u32 s3, s0;
	s1 =	sshll.u32 s1, $0x11  }
0xc3: {  	s0 =	sor.u32 s1, s0  }
0xc4: {  	s0 =	sadd.s32 $0x8F2B, s0  }
0xc5: {  	[sflag:s0] =	ssyncadd.remote.s32 $0x1  }
0xc6: {  	_ =	sfence.sel $0xFFFF  }
0xc7: {  	[dreg:$0x0] =	wrdreg $0xFFFFFFFF;
	(pc) =	sbr.abs _section_cstart, $3  }
0xc8: {  	[dreg:$0x1] =	wrdreg $0xFFFFFFFF  }
0xc9: {  	_ =	task.clear_ibuf [dreg:s11], $0x2FFFF;
	_ =	strace $0x9FFFFFFF  }
0xca: {  	(tm) =	ssettm $0x7FFFFFFF  }
0xcb: {  	_ =	shalt  }
tec
execute0_lowered:
.L_overlay_start_1:
0x0: {  	(tag) =	ssettag $0x1  }
0x1: {  	s1 =	rddreg [dreg:$0x0]  }
0x2: {  	s2 =	rddreg [dreg:$0x1]  }
0x3: {  	s0 =	rddreg [dreg:$0x2]  }
0x4: {  	s3 =	rddreg [dreg:$0x3]  }
0x5: {  	s10 =	rddreg [dreg:$0x4]  }
0x6: {  	s5 =	rddreg [dreg:$0x5];
	s4 =	simm.s32 $0x0  }
0x7: {  	s6 =	srdreg.scid;
	s9 =	stileid.u32;
	s28 =	simm.s32 $0x4  }
0x8: {  	s29 =	simm.s32 $0x0;
	[smem:$0x7FF] =	sst s4;
	s6 =	sand.u32 $0x1, s6  }
0x9: {  	s7 =	sshll.u32 s9, $0x1;
	s12 =	sshrl.u32 s9, $0x2;
	s14 =	sadd.s32 $0xC00, s5  }
0xa: {  	_ =	strace $0x80000047;
	s8 =	ssub.s32 $0x2, s6;
	s11 =	sor.u32 s6, s7  }
0xb: {  	s9 =	smul.u32 $0xC3800, s12;
	s16 =	sor.u32 $0x4, s12;
	s26 =	sshll.u32 s12, $0xF  }
0xc: {  	s18 =	sshrl.u32 s8, $0x1;
	s7 =	sshll.u32 s11, $0x7;
	s19 =	sshll.u32 s11, $0x4  }
0xd: {  	s23 =	smul.u32 $0xC3800, s16;
	s24 =	sshll.u32 s11, $0xB;
	s16 =	sshll.u32 s16, $0xF  }
0xe: {  	s15 =	ssub.s32 s8, s18;
	s13 =	sand.u32 $0x380, s7;
	s5 =	sadd.s32 s1, s19  }
0xf: {  	s10 =	sadd.s32 s10, s24;
	s19 =	simm.s32 $0x400;
	s24 =	simm.s32 $0x1  }
0x10: {  	s20 =	sor.u32 s9, s13;
	s18 =	sor.u32 s23, s13;
	s16 =	sor.u32 s16, s13  }
0x11: {  	s15 =	smax.u32 s15, $0x1;
	s23 =	simm.s32 $0x3;
	s21 =	sshrl.u32 s20, $0x3  }
0x12: {  	s22 =	sadd.s32 $0x62000, s20;
	s25 =	sshrl.u32 s18, $0x3;
	s30 =	sadd.s32 $0x62000, s18  }
0x13: {  	s31 =	sshrl.u32 s16, $0x3;
	s16 =	simm.s32 $0x5;
	s18 =	simm.s32 $0x1B780  }
0x14: {  	s20 =	simm.s32 $0x1080;
	s6 =	sadd.s32 s0, s21;
	s17 =	sshrl.u32 s22, $0x3  }
0x15: {  	s8 =	sadd.s32 s3, s21;
	s11 =	sadd.s32 s0, s25;
	s12 =	sshrl.u32 s30, $0x3  }
0x16: {  	s21 =	simm.s32 $0xD480;
	s22 =	simm.s32 $0x2;
	s25 =	simm.s32 $0x19780  }
0x17: {  	s7 =	sadd.s32 s0, s17;
	s9 =	sadd.s32 s3, s17;
	s3 =	sor.u32 s26, s13  }
0x18: {  	s12 =	sadd.s32 s0, s12;
	s17 =	simm.s32 $0x80;
	s3 =	sshrl.u32 s3, $0x3  }
0x19: {  	s26 =	simm.s32 $0x1A780;
	s13 =	sadd.s32 s14, s3;
	s14 =	sadd.s32 s14, s31  }
.LBB2_1:
0x1a: {  	[tilespmem:s4], [sflag:$0x5] =	stream.linear.gather [hbm4b:s5+s4], $0x80, $0x38;
	[tilespmem:$0x1F780] =	vst v63  }
0x1b: {  	_ =	swait.ge [sflag:s16], $0x80  }
0x1c: {  	[sflag:s16] =	ssyncset.done $0x0  }
0x1d: {  	[sflag:s16] =	ssyncadd.s32 $0xFFFFFF80  }
0x1e: {  	[tilespmem:s18], [sflag:$0x1] =	stream.indirect.gather [hbm4b:s2+s17], $0x80, s4, s17, $0xb8;
	[tilespmem:$0x1F780] =	vst v63  }
0x1f: {  	_ = 	snop  }
0x20: {  	[tilespmem:s17], [sflag:$0x5] =	stream.linear.gather [hbm4b:s1+s4], $0x1000, $0x38;
	[tilespmem:$0x1F780] =	vst v63  }
0x21: {  	_ =	swait.ge [sflag:s16], $0x1000  }
0x22: {  	[sflag:s16] =	ssyncset.done $0x0  }
0x23: {  	[sflag:s16] =	ssyncadd.s32 $0xFFFFF000  }
0x24: {  	[tilespmem:s20], [sflag:$0x2] =	stream.strided.gather [hbm4b:s6+s17], $0xC400, s19, s17, $0x38;
	[tilespmem:$0x1F780] =	vst v63  }
0x25: {  	_ = 	snop  }
0x26: {  	[tilespmem:s21], [sflag:$0x3] =	stream.strided.gather [hbm4b:s7+s17], $0xC300, s19, s17, $0x38;
	[tilespmem:$0x1F780] =	vst v63  }
0x27: {  	_ =	swait.ge [sflag:s22], $0xC400  }
0x28: {  	[sflag:s22] =	ssyncset.done $0x0  }
0x29: {  	s31 =	simm.s32 $0x0;
	[sflag:s22] =	ssyncadd.s32 $0xFFFF3C00  }
0x2a: {  	v1 =	vld [tilespmem:s31+$0x80];
	_ =	sdelay $0x4  }
0x2b: {  	vm1 =	vlt.s32 v1, $0xC400;
	_ =	sdelay $0x2  }
0x2c: {  	s30 =	simm.s32 $0x10  }
0x2d: {  	v0 =	vld [tilespmem:s30+$0x80];
	_ =	sdelay $0x1  }
0x2e: {  	v1 =	vld.idx.msk [tilespmem:v1+s20+$0x0], vm1;
	_ =	sdelay $0x2  }
0x2f: {  	s0 =	simm.s32 $0x20;
	s3 =	simm.s32 $0xC0;
	vm0 =	vmmov vm1;
	vm1 =	vlt.s32 v0, $0xC400  }
.LBB2_2:
0x30: {  	p0 =	sne.s32 s3, $0x3FC0;
	v2 =	vld [tilespmem:s0+$0x80]  }
0x31: {  	v1 =	vnsel vm0, $0x0, v1;
	vm0 =	vmmov vm1  }
0x32: {  	[tilespmem:s31+$0x19780] =	vst v1;
	s31 =	smov.u32 s30;
	s30 =	smov.u32 s0  }
.Ltmp0:
0x33: {  	v1 =	vld.idx.msk [tilespmem:v0+s20+$0x0], vm1;
	(pc) =	sbr.rel @p0 .LBB2_2-.Ltmp0, $3  }
0x34: {  	_ = 	snop  }
0x35: {  	vm1 =	vlt.s32 v2, $0xC400;
	v0 =	vmov v2;
	_ =	sdelay $0x1  }
0x36: {  	s0 =	sshra.s32 s3, $0x2;
	s3 =	sadd.s32 $0x40, s3  }
0x37: {  	_ = 	snop  }
0x38: {  	v2 =	vld [tilespmem:s0+$0x80];
	_ =	sdelay $0x1  }
0x39: {  	v1 =	vnsel vm0, $0x0, v1  }
0x3a: {  	[tilespmem:s31+$0x19780] =	vst v1  }
0x3b: {  	v0 =	vld.idx.msk [tilespmem:v0+s20+$0x0], vm1  }
0x3c: {  	vm0 =	vlt.s32 v2, $0xC400;
	_ =	sdelay $0x2  }
0x3d: {  	vm1 =	vmmov vm1  }
0x3e: {  	v0 =	vnsel vm1, $0x0, v0  }
0x3f: {  	[tilespmem:s30+$0x19780] =	vst v0  }
0x40: {  	v0 =	vld.idx.msk [tilespmem:v2+s20+$0x0], vm0;
	_ =	sdelay $0x3  }
0x41: {  	vm0 =	vmmov vm0  }
0x42: {  	v0 =	vnsel vm0, $0x0, v0  }
0x43: {  	[tilespmem:s0+$0x19780] =	vst v0  }
0x44: {  	[tilespmem:s20], [sflag:$0x2] =	stream.strided.gather [hbm4b:s8+s17], $0xC400, s19, s17, $0x38;
	[tilespmem:$0x1F780] =	vst v63  }
0x45: {  	_ =	swait.ge [sflag:s23], $0xC300  }
0x46: {  	[sflag:s23] =	ssyncset.done $0x0  }
0x47: {  	s31 =	simm.s32 $0x0;
	[sflag:s23] =	ssyncadd.s32 $0xFFFF3D00  }
0x48: {  	v0 =	vld [tilespmem:s31+$0x80];
	_ =	sdelay $0x4  }
0x49: {  	vm0 =	vgt.s32 v0, $0xC3FF  }
0x4a: {  	v0 =	vadd.s32 $0xFFFF3C00, v0;
	_ =	sdelay $0x2  }
0x4b: {  	s30 =	simm.s32 $0x10  }
0x4c: {  	v1 =	vld [tilespmem:s30+$0x80]  }
0x4d: {  	v0 =	vld.idx.msk [tilespmem:v0+s21+$0x0], vm0;
	_ =	sdelay $0x1  }
0x4e: {  	v2 =	vld [tilespmem:s31+$0x19780];
	_ =	sdelay $0x1  }
0x4f: {  	vm1 =	vgt.s32 v1, $0xC3FF;
	vm0 =	vmmov vm0  }
0x50: {  	v3 =	vnsel vm0, $0x0, v0;
	v0 =	vadd.s32 $0xFFFF3C00, v1;
	_ =	sdelay $0x1  }
0x51: {  	v1 =	vadd.f32 v2, v3  }
0x52: {  	s3 =	simm.s32 $0x20;
	s0 =	simm.s32 $0xC0;
	vm0 =	vmmov vm1  }
.LBB2_4:
0x53: {  	p0 =	sne.s32 s0, $0x3FC0;
	v2 =	vld [tilespmem:s3+$0x80];
	[tilespmem:s31+$0x19780] =	vst v1;
	s31 =	smov.u32 s30;
	s30 =	smov.u32 s3  }
0x54: {  	v1 =	vld.idx.msk [tilespmem:v0+s21+$0x0], vm1;
	_ =	sdelay $0x1  }
0x55: {  	v3 =	vld [tilespmem:s31+$0x19780];
	_ =	sdelay $0x1  }
.Ltmp1:
0x56: {  	vm1 =	vgt.s32 v2, $0xC3FF;
	(pc) =	sbr.rel @p0 .LBB2_4-.Ltmp1, $4  }
0x57: {  	v0 =	vadd.s32 $0xFFFF3C00, v2  }
0x58: {  	v1 =	vnsel vm0, $0x0, v1;
	vm0 =	vmmov vm1  }
0x59: {  	v1 =	vadd.f32 v3, v1  }
0x5a: {  	s3 =	sshra.s32 s0, $0x2;
	s0 =	sadd.s32 $0x40, s0  }
0x5b: {  	_ =	sdelay $0x2  }
0x5c: {  	v2 =	vld [tilespmem:s3+$0x80]  }
0x5d: {  	[tilespmem:s31+$0x19780] =	vst v1  }
0x5e: {  	v0 =	vld.idx.msk [tilespmem:v0+s21+$0x0], vm1  }
0x5f: {  	v1 =	vld [tilespmem:s30+$0x19780];
	_ =	sdelay $0x1  }
0x60: {  	vm1 =	vgt.s32 v2, $0xC3FF  }
0x61: {  	v2 =	vadd.s32 $0xFFFF3C00, v2  }
0x62: {  	v0 =	vnsel vm0, $0x0, v0  }
0x63: {  	v0 =	vadd.f32 v1, v0;
	_ =	sdelay $0x1  }
0x64: {  	[tilespmem:s30+$0x19780] =	vst v0  }
0x65: {  	v0 =	vld.idx.msk [tilespmem:v2+s21+$0x0], vm1  }
0x66: {  	v1 =	vld [tilespmem:s3+$0x19780];
	_ =	sdelay $0x2  }
0x67: {  	vm0 =	vmmov vm1  }
0x68: {  	v0 =	vnsel vm0, $0x0, v0  }
0x69: {  	v0 =	vadd.f32 v1, v0;
	_ =	sdelay $0x1  }
0x6a: {  	[tilespmem:s3+$0x19780] =	vst v0  }
0x6b: {  	[tilespmem:s21], [sflag:$0x3] =	stream.strided.gather [hbm4b:s9+s17], $0xC300, s19, s17, $0x38;
	[tilespmem:$0x1F780] =	vst v63  }
0x6c: {  	_ =	swait.ge [sflag:s24], $0x4000  }
0x6d: {  	[sflag:s24] =	ssyncset.done $0x0  }
0x6e: {  	s0 =	simm.s32 $0x0;
	[sflag:s24] =	ssyncadd.s32 $0xFFFFC000  }
0x6f: {  	[hbm4b:s10+s0] =	stream.linear.scatter [tilespmem:s18], [sflag:$0x1], $0x4000, $0x38;
	[tilespmem:$0x1F780] =	vst v63  }
0x70: {  	_ =	swait.ge [sflag:s22], $0xC400  }
0x71: {  	[sflag:s22] =	ssyncset.done $0x0  }
0x72: {  	s31 =	simm.s32 $0x0;
	[sflag:s22] =	ssyncadd.s32 $0xFFFF3C00  }
0x73: {  	v1 =	vld [tilespmem:s31+$0x80];
	_ =	sdelay $0x4  }
0x74: {  	vm0 =	vlt.s32 v1, $0xC400;
	_ =	sdelay $0x2  }
0x75: {  	s30 =	simm.s32 $0x10  }
0x76: {  	v0 =	vld [tilespmem:s30+$0x80];
	_ =	sdelay $0x1  }
0x77: {  	v1 =	vld.idx.msk [tilespmem:v1+s20+$0x0], vm0  }
0x78: {  	v2 =	vld [tilespmem:s31+$0x19780];
	_ =	sdelay $0x1  }
0x79: {  	vm1 =	vlt.s32 v0, $0xC400  }
0x7a: {  	vm0 =	vmmov vm0  }
0x7b: {  	v1 =	vnsel vm0, $0x0, v1  }
0x7c: {  	v1 =	vadd.f32 v2, v1  }
0x7d: {  	s3 =	simm.s32 $0x20;
	s0 =	simm.s32 $0xC0;
	vm0 =	vmmov vm1  }
.LBB2_6:
0x7e: {  	p0 =	sne.s32 s0, $0x3FC0;
	v2 =	vld [tilespmem:s3+$0x80];
	[tilespmem:s31+$0x19780] =	vst v1;
	s31 =	smov.u32 s30;
	s30 =	smov.u32 s3  }
0x7f: {  	v1 =	vld.idx.msk [tilespmem:v0+s20+$0x0], vm1;
	_ =	sdelay $0x1  }
0x80: {  	v3 =	vld [tilespmem:s31+$0x19780];
	_ =	sdelay $0x1  }
.Ltmp2:
0x81: {  	vm1 =	vlt.s32 v2, $0xC400;
	v0 =	vmov v2;
	(pc) =	sbr.rel @p0 .LBB2_6-.Ltmp2, $4  }
0x82: {  	_ = 	snop  }
0x83: {  	v1 =	vnsel vm0, $0x0, v1;
	vm0 =	vmmov vm1  }
0x84: {  	v1 =	vadd.f32 v3, v1  }
0x85: {  	s3 =	sshra.s32 s0, $0x2;
	s0 =	sadd.s32 $0x40, s0  }
0x86: {  	_ =	sdelay $0x2  }
0x87: {  	v2 =	vld [tilespmem:s3+$0x80]  }
0x88: {  	[tilespmem:s31+$0x19780] =	vst v1  }
0x89: {  	v0 =	vld.idx.msk [tilespmem:v0+s20+$0x0], vm1  }
0x8a: {  	v1 =	vld [tilespmem:s30+$0x19780];
	_ =	sdelay $0x1  }
0x8b: {  	vm1 =	vlt.s32 v2, $0xC400;
	_ =	sdelay $0x1  }
0x8c: {  	v0 =	vnsel vm0, $0x0, v0  }
0x8d: {  	v0 =	vadd.f32 v1, v0;
	_ =	sdelay $0x1  }
0x8e: {  	[tilespmem:s30+$0x19780] =	vst v0  }
0x8f: {  	v0 =	vld.idx.msk [tilespmem:v2+s20+$0x0], vm1  }
0x90: {  	v1 =	vld [tilespmem:s3+$0x19780];
	_ =	sdelay $0x2  }
0x91: {  	vm0 =	vmmov vm1  }
0x92: {  	v0 =	vnsel vm0, $0x0, v0  }
0x93: {  	v0 =	vadd.f32 v1, v0;
	_ =	sdelay $0x1  }
0x94: {  	[tilespmem:s3+$0x19780] =	vst v0  }
0x95: {  	[tilespmem:s20], [sflag:$0x2] =	stream.strided.gather [hbm4b:s11+s17], $0xC400, s19, s17, $0x38;
	[tilespmem:$0x1F780] =	vst v63  }
0x96: {  	_ =	swait.ge [sflag:s23], $0xC300  }
0x97: {  	[sflag:s23] =	ssyncset.done $0x0  }
0x98: {  	s31 =	simm.s32 $0x0;
	[sflag:s23] =	ssyncadd.s32 $0xFFFF3D00  }
0x99: {  	v0 =	vld [tilespmem:s31+$0x80];
	_ =	sdelay $0x4  }
0x9a: {  	vm0 =	vgt.s32 v0, $0xC3FF  }
0x9b: {  	v0 =	vadd.s32 $0xFFFF3C00, v0;
	_ =	sdelay $0x2  }
0x9c: {  	s30 =	simm.s32 $0x10  }
0x9d: {  	v1 =	vld [tilespmem:s30+$0x80]  }
0x9e: {  	v0 =	vld.idx.msk [tilespmem:v0+s21+$0x0], vm0;
	_ =	sdelay $0x1  }
0x9f: {  	v2 =	vld [tilespmem:s31+$0x19780];
	_ =	sdelay $0x1  }
0xa0: {  	vm1 =	vgt.s32 v1, $0xC3FF;
	vm0 =	vmmov vm0  }
0xa1: {  	v3 =	vnsel vm0, $0x0, v0;
	v0 =	vadd.s32 $0xFFFF3C00, v1;
	_ =	sdelay $0x1  }
0xa2: {  	v1 =	vadd.f32 v2, v3  }
0xa3: {  	s0 =	simm.s32 $0xC0;
	s3 =	simm.s32 $0x20;
	vm0 =	vmmov vm1  }
.LBB2_8:
0xa4: {  	p0 =	sne.s32 s0, $0x3FC0;
	v2 =	vld [tilespmem:s3+$0x80];
	[tilespmem:s31+$0x19780] =	vst v1;
	s31 =	smov.u32 s30;
	s30 =	smov.u32 s3  }
0xa5: {  	v1 =	vld.idx.msk [tilespmem:v0+s21+$0x0], vm1;
	_ =	sdelay $0x1  }
0xa6: {  	v3 =	vld [tilespmem:s31+$0x19780];
	_ =	sdelay $0x1  }
.Ltmp3:
0xa7: {  	vm1 =	vgt.s32 v2, $0xC3FF;
	(pc) =	sbr.rel @p0 .LBB2_8-.Ltmp3, $4  }
0xa8: {  	v0 =	vadd.s32 $0xFFFF3C00, v2  }
0xa9: {  	v1 =	vnsel vm0, $0x0, v1;
	vm0 =	vmmov vm1  }
0xaa: {  	v1 =	vadd.f32 v3, v1  }
0xab: {  	s3 =	sshra.s32 s0, $0x2;
	s0 =	sadd.s32 $0x40, s0  }
0xac: {  	_ =	sdelay $0x2  }
0xad: {  	v2 =	vld [tilespmem:s3+$0x80]  }
0xae: {  	[tilespmem:s31+$0x19780] =	vst v1  }
0xaf: {  	v0 =	vld.idx.msk [tilespmem:v0+s21+$0x0], vm1  }
0xb0: {  	v1 =	vld [tilespmem:s30+$0x19780];
	_ =	sdelay $0x1  }
0xb1: {  	vm1 =	vgt.s32 v2, $0xC3FF  }
0xb2: {  	v2 =	vadd.s32 $0xFFFF3C00, v2  }
0xb3: {  	v0 =	vnsel vm0, $0x0, v0  }
0xb4: {  	v0 =	vadd.f32 v1, v0;
	_ =	sdelay $0x1  }
0xb5: {  	[tilespmem:s30+$0x19780] =	vst v0  }
0xb6: {  	v0 =	vld.idx.msk [tilespmem:v2+s21+$0x0], vm1  }
0xb7: {  	v1 =	vld [tilespmem:s3+$0x19780];
	_ =	sdelay $0x2  }
0xb8: {  	vm0 =	vmmov vm1  }
0xb9: {  	v0 =	vnsel vm0, $0x0, v0  }
0xba: {  	v0 =	vadd.f32 v1, v0;
	_ =	sdelay $0x1  }
0xbb: {  	[tilespmem:s3+$0x19780] =	vst v0  }
0xbc: {  	[tilespmem:s21], [sflag:$0x3] =	stream.strided.gather [hbm4b:s12+s17], $0xC300, s19, s17, $0x38;
	[tilespmem:$0x1F780] =	vst v63  }
0xbd: {  	_ = 	snop  }
0xbe: {  	[hbm4b:s13+s17] =	stream.strided.scatter [tilespmem:s25], [sflag:$0x4], $0x1000, s19, s17, $0x38;
	[tilespmem:$0x1F780] =	vst v63  }
0xbf: {  	_ =	swait.ge [sflag:s22], $0xC400  }
0xc0: {  	[sflag:s22] =	ssyncset.done $0x0  }
0xc1: {  	s31 =	simm.s32 $0x0;
	[sflag:s22] =	ssyncadd.s32 $0xFFFF3C00  }
0xc2: {  	v1 =	vld [tilespmem:s31+$0x80];
	_ =	sdelay $0x4  }
0xc3: {  	vm1 =	vlt.s32 v1, $0xC400;
	_ =	sdelay $0x2  }
0xc4: {  	s30 =	simm.s32 $0x10  }
0xc5: {  	v0 =	vld [tilespmem:s30+$0x80];
	_ =	sdelay $0x1  }
0xc6: {  	v1 =	vld.idx.msk [tilespmem:v1+s20+$0x0], vm1;
	_ =	sdelay $0x2  }
0xc7: {  	s0 =	simm.s32 $0x20;
	s3 =	simm.s32 $0xC0;
	vm0 =	vmmov vm1;
	vm1 =	vlt.s32 v0, $0xC400  }
.LBB2_10:
0xc8: {  	p0 =	sne.s32 s3, $0x3FC0;
	v2 =	vld [tilespmem:s0+$0x80]  }
0xc9: {  	v1 =	vnsel vm0, $0x0, v1;
	vm0 =	vmmov vm1  }
0xca: {  	[tilespmem:s31+$0x1A780] =	vst v1;
	s31 =	smov.u32 s30;
	s30 =	smov.u32 s0  }
.Ltmp4:
0xcb: {  	v1 =	vld.idx.msk [tilespmem:v0+s20+$0x0], vm1;
	(pc) =	sbr.rel @p0 .LBB2_10-.Ltmp4, $3  }
0xcc: {  	_ = 	snop  }
0xcd: {  	vm1 =	vlt.s32 v2, $0xC400;
	v0 =	vmov v2;
	_ =	sdelay $0x1  }
0xce: {  	s0 =	sshra.s32 s3, $0x2;
	s3 =	sadd.s32 $0x40, s3  }
0xcf: {  	_ = 	snop  }
0xd0: {  	v2 =	vld [tilespmem:s0+$0x80];
	_ =	sdelay $0x1  }
0xd1: {  	v1 =	vnsel vm0, $0x0, v1  }
0xd2: {  	[tilespmem:s31+$0x1A780] =	vst v1  }
0xd3: {  	v0 =	vld.idx.msk [tilespmem:v0+s20+$0x0], vm1  }
0xd4: {  	vm0 =	vlt.s32 v2, $0xC400;
	_ =	sdelay $0x2  }
0xd5: {  	vm1 =	vmmov vm1  }
0xd6: {  	v0 =	vnsel vm1, $0x0, v0  }
0xd7: {  	[tilespmem:s30+$0x1A780] =	vst v0  }
0xd8: {  	v0 =	vld.idx.msk [tilespmem:v2+s20+$0x0], vm0;
	_ =	sdelay $0x3  }
0xd9: {  	vm0 =	vmmov vm0  }
0xda: {  	v0 =	vnsel vm0, $0x0, v0  }
0xdb: {  	[tilespmem:s0+$0x1A780] =	vst v0  }
0xdc: {  	_ =	swait.ge [sflag:s23], $0xC300  }
0xdd: {  	[sflag:s23] =	ssyncset.done $0x0  }
0xde: {  	s31 =	simm.s32 $0x0;
	[sflag:s23] =	ssyncadd.s32 $0xFFFF3D00  }
0xdf: {  	v0 =	vld [tilespmem:s31+$0x80];
	_ =	sdelay $0x4  }
0xe0: {  	vm0 =	vgt.s32 v0, $0xC3FF  }
0xe1: {  	v0 =	vadd.s32 $0xFFFF3C00, v0;
	_ =	sdelay $0x2  }
0xe2: {  	s30 =	simm.s32 $0x10  }
0xe3: {  	v1 =	vld [tilespmem:s30+$0x80]  }
0xe4: {  	v0 =	vld.idx.msk [tilespmem:v0+s21+$0x0], vm0;
	_ =	sdelay $0x1  }
0xe5: {  	v2 =	vld [tilespmem:s31+$0x1A780];
	_ =	sdelay $0x1  }
0xe6: {  	vm1 =	vgt.s32 v1, $0xC3FF;
	vm0 =	vmmov vm0  }
0xe7: {  	v3 =	vnsel vm0, $0x0, v0;
	v0 =	vadd.s32 $0xFFFF3C00, v1;
	_ =	sdelay $0x1  }
0xe8: {  	v1 =	vadd.f32 v2, v3  }
0xe9: {  	s3 =	simm.s32 $0x20;
	s0 =	simm.s32 $0xC0;
	vm0 =	vmmov vm1  }
.LBB2_12:
0xea: {  	p0 =	sne.s32 s0, $0x3FC0;
	v2 =	vld [tilespmem:s3+$0x80];
	[tilespmem:s31+$0x1A780] =	vst v1;
	s31 =	smov.u32 s30;
	s30 =	smov.u32 s3  }
0xeb: {  	v1 =	vld.idx.msk [tilespmem:v0+s21+$0x0], vm1;
	_ =	sdelay $0x1  }
0xec: {  	v3 =	vld [tilespmem:s31+$0x1A780];
	_ =	sdelay $0x1  }
.Ltmp5:
0xed: {  	vm1 =	vgt.s32 v2, $0xC3FF;
	(pc) =	sbr.rel @p0 .LBB2_12-.Ltmp5, $4  }
0xee: {  	v0 =	vadd.s32 $0xFFFF3C00, v2  }
0xef: {  	v1 =	vnsel vm0, $0x0, v1;
	vm0 =	vmmov vm1  }
0xf0: {  	v1 =	vadd.f32 v3, v1  }
0xf1: {  	s3 =	sshra.s32 s0, $0x2;
	s0 =	sadd.s32 $0x40, s0  }
0xf2: {  	_ =	sdelay $0x2  }
0xf3: {  	v2 =	vld [tilespmem:s3+$0x80]  }
0xf4: {  	[tilespmem:s31+$0x1A780] =	vst v1  }
0xf5: {  	v0 =	vld.idx.msk [tilespmem:v0+s21+$0x0], vm1  }
0xf6: {  	v1 =	vld [tilespmem:s30+$0x1A780];
	_ =	sdelay $0x1  }
0xf7: {  	vm14 =	vgt.s32 v2, $0xC3FF  }
0xf8: {  	v2 =	vadd.s32 $0xFFFF3C00, v2  }
0xf9: {  	v0 =	vnsel vm0, $0x0, v0  }
0xfa: {  	v0 =	vadd.f32 v1, v0;
	_ =	sdelay $0x1  }
0xfb: {  	[tilespmem:s30+$0x1A780] =	vst v0  }
0xfc: {  	v0 =	vld.idx.msk [tilespmem:v2+s21+$0x0], vm14  }
0xfd: {  	v63 =	vld [tilespmem:s3+$0x1A780];
	_ =	sdelay $0x2  }
0xfe: {  	vm15 =	vmmov vm14  }
0xff: {  	v0 =	vnsel vm15, $0x0, v0  }
0x100: {  	v0 =	vadd.f32 v63, v0;
	_ =	sdelay $0x1  }
0x101: {  	[tilespmem:s3+$0x1A780] =	vst v0  }
0x102: {  	[hbm4b:s14+s17] =	stream.strided.scatter [tilespmem:s26], [sflag:$0x4], $0x1000, s19, s17, $0x38;
	[tilespmem:$0x1F780] =	vst v63  }
0x103: {  	_ =	swait.ge [sflag:s24], $0x4000  }
0x104: {  	[sflag:s24] =	ssyncset.done $0x0  }
0x105: {  	s29 =	sadd.s32 $0x1, s29;
	[sflag:s24] =	ssyncadd.s32 $0xFFFFC000  }
0x106: {  	p0 =	sne.s32 s29, s15;
	_ =	swait.ge [sflag:s28], $0x1000  }
.Ltmp6:
0x107: {  	[sflag:s28] =	ssyncset.done $0x0;
	(pc) =	sbr.rel @p0 .LBB2_1-.Ltmp6, $4  }
0x108: {  	[sflag:s28] =	ssyncadd.s32 $0xFFFFF000  }
0x109: {  	_ =	swait.ge [sflag:s28], $0x1000  }
0x10a: {  	[sflag:s28] =	ssyncset.done $0x0  }
0x10b: {  	[sflag:s28] =	ssyncadd.s32 $0xFFFFF000  }
0x10c: {  	_ =	sfence.sel $0x180000  }
0x10d: {  	[bflag:$0x0] =	sbarrier.arrive $0xFFFF  }
0x10e: {  	_ =	strace $0x90000047  }
0x10f: {  	s0 =	stileid.u32;
	[bflag:$0x2] =	sbarrier.arrive $0xFFFF  }
0x110: {  	p0 =	sne.s32 s0, $0x0;
	s0 =	rddreg [dreg:$0x6]  }
0x111: {  	s0 =	sadd.s32 @!p0 $0x100000, s0  }
0x112: {  	[sflag:s0] =	ssyncadd.tile.s32 @!p0 $0x1;
	_ =	shalt  }
.Lfunc_end2:
_tile_overlayer_lowered:
.L_overlay_start_2:
0x113: {  	(tag) =	ssettag $0x2  }
0x114: {  	s0 =	rddreg [dreg:$0x0];
	s2 =	stileid.u32  }
0x115: {  	s1 =	rddreg [dreg:$0x1];
	p0 =	sne.s32 s2, $0x0  }
0x116: {  	s3 =	rddreg [dreg:$0x2];
	[bflag:$0x3] =	sbarrier.arrive $0xFFFF;
	s2 =	simm.s32 @!p0 $0x1C05  }
0x117: {  	[timem:s3], [sflag:s2] =	dma.local @!p0 [hbm:s0], s1  }
0x118: {  	s0 =	simm.s32 @!p0 $0x5  }
0x119: {  	_ =	swait.ge @!p0 [sflag:s0], s1  }
0x11a: {  	s1 =	ssub.s32 @!p0 $0x0, s1;
	[sflag:s0] =	ssyncset.done @!p0 $0x0  }
0x11b: {  	[sflag:s0] =	ssyncadd.s32 @!p0 s1  }
0x11c: {  	[bflag:$0x3] =	sbarrier.arrive $0xFFFF  }
0x11d: {  	_ =	shalt  }

</sc_bundles>
